<compile_context>
chip_gen: v7x
topology: tpu7x:2x2x1
jax: 0.10.2.dev20260603
libtpu: 0.0.44.dev20260713+nightly
codegen_flags: <defaults>
</compile_context>

<pallas_src>
import functools

import jax
import jax.numpy as jnp
from jax import lax
from jax.experimental import pallas as pl
from jax.experimental.pallas import tpu as pltpu
from jax.experimental.pallas import tpu_sc as plsc

_LAT, _K = 64, 1024
_BLK = 448
_NW = 32
_GPAD = 6400


def _conv2d(x, w, b, stride, pad):
    out = lax.conv_general_dilated(
        x, w, (stride, stride), [(pad, pad), (pad, pad)],
        dimension_numbers=('NCHW', 'OIHW', 'NCHW'))
    return out + b[None, :, None, None]


def _conv2d_fast(x, w, b, stride, pad):
    out = lax.conv_general_dilated(
        x.astype(jnp.bfloat16), w.astype(jnp.bfloat16), (stride, stride),
        [(pad, pad), (pad, pad)],
        dimension_numbers=('NCHW', 'OIHW', 'NCHW'),
        preferred_element_type=jnp.float32)
    return out + b[None, :, None, None]


def _conv_t2d_fast(x, w, b, stride, k):
    w2 = jnp.flip(w, axis=(2, 3)).transpose(1, 0, 2, 3)
    out = lax.conv_general_dilated(
        x.astype(jnp.bfloat16), w2.astype(jnp.bfloat16), (1, 1),
        [(k - 1, k - 1), (k - 1, k - 1)],
        lhs_dilation=(stride, stride),
        dimension_numbers=('NCHW', 'OIHW', 'NCHW'),
        preferred_element_type=jnp.float32)
    return out + b[None, :, None, None]


def _batchnorm(x, g, b, eps=1e-5):
    m = jnp.mean(x, axis=(0, 2, 3), keepdims=True)
    v = jnp.var(x, axis=(0, 2, 3), keepdims=True)
    return g[None, :, None, None] * (x - m) / jnp.sqrt(v + eps) + b[None, :, None, None]


def _leaky(x):
    return jnp.where(x >= 0, x, 0.01 * x)


_DH = 118
_DHP = _DH + 1
_DFLAT = 120 * 128


def _dec2_body(ypf_ref, w4_ref, b_ref, e_ref, out_ref):
    yp = ypf_ref[0]
    y0 = yp[:, 128:_DFLAT]
    y1 = yp[:, 0:_DFLAT - 128]
    dn = (((1,), (0,)), ((), ()))
    acc0 = (lax.dot_general(w4_ref[0, 0], y0, dn, preferred_element_type=jnp.float32)
            + lax.dot_general(w4_ref[1, 0], y1, dn, preferred_element_type=jnp.float32))
    acc1 = (lax.dot_general(w4_ref[0, 1], y0, dn, preferred_element_type=jnp.float32)
            + lax.dot_general(w4_ref[1, 1], y1, dn, preferred_element_type=jnp.float32))
    shifted = jnp.concatenate(
        [acc0[:, 1:], jnp.zeros((16, 1), jnp.float32)], axis=1)
    zt = jnp.tanh(acc1 + shifted + b_ref[:, :1])
    z4 = zt.reshape(16, _DHP, 128)
    for a in (0, 1):
        res = jnp.zeros((4 * _DHP, 256), jnp.float32)
        for c in (0, 1):
            zac = z4[(a * 2 + c) * 4:(a * 2 + c) * 4 + 4].reshape(4 * _DHP, 128)
            res = res + lax.dot_general(zac, e_ref[c], dn,
                                        preferred_element_type=jnp.float32)
        out_ref[0, a] = res.reshape(4, _DHP, 256)


def _dec2_tanh(y, w, b):
    n = y.shape[0]
    ypf = jnp.pad(y, ((0, 0), (0, 0), (1, 1), (1, 9))).reshape(n, 64, _DFLAT)
    t = w.reshape(64, 3, 2, 2, 2, 2)
    t = t.transpose(2, 4, 3, 5, 1, 0)
    t = jnp.pad(t, ((0, 0),) * 4 + ((0, 1), (0, 0)))
    w4 = t.reshape(2, 2, 16, 64)
    b16 = jnp.broadcast_to(jnp.tile(jnp.pad(b, (0, 1)), 4)[:, None], (16, 128))
    s_i = jnp.arange(128)[:, None]
    q_i = jnp.arange(256)[None, :]
    e = jnp.stack([((q_i == 2 * s_i + c) & (s_i < _DHP)).astype(jnp.float32)
                   for c in (0, 1)])
    res = pl.pallas_call(
        _dec2_body,
        grid=(n,),
        in_specs=[
            pl.BlockSpec((1, 64, _DFLAT), lambda i: (i, 0, 0)),
            pl.BlockSpec((2, 2, 16, 64), lambda i: (0, 0, 0, 0)),
            pl.BlockSpec((16, 128), lambda i: (0, 0)),
            pl.BlockSpec((2, 128, 256), lambda i: (0, 0, 0)),
        ],
        out_specs=pl.BlockSpec((1, 2, 4, _DHP, 256), lambda i: (i, 0, 0, 0, 0)),
        out_shape=jax.ShapeDtypeStruct((n, 2, 4, _DHP, 256), jnp.float32),
    )(ypf, w4, b16, e)
    out = res[:, :, :3, :, :238]
    return out.transpose(0, 2, 3, 1, 4).reshape(n, 3, 238, 238)


def _argmin_body(z_ref, cb_ref, idx_ref):
    z = z_ref[...]
    cb = cb_ref[...]
    s = lax.dot_general(z, cb, (((1,), (1,)), ((), ())),
                        preferred_element_type=jnp.float32)
    zsq = jnp.sum(z * z, axis=1, keepdims=True)
    cbsq = jnp.sum(cb * cb, axis=1)
    d2 = zsq - 2.0 * s + cbsq[None, :]
    dist = jnp.sqrt(jnp.maximum(d2, 0.0))
    m = jnp.min(dist, axis=1, keepdims=True)
    ids = lax.broadcasted_iota(jnp.int32, (_BLK, _K), 1)
    idx_ref[0, 0, :] = jnp.min(jnp.where(dist == m, ids, _K), axis=1)


def _loss_body(z_ref, q_ref, rloss_ref):
    r = z_ref[...] - q_ref[...]
    rloss_ref[0, 0, :] = jnp.sum(r * r, axis=1)


@functools.lru_cache(maxsize=1)
def _make_sc_gather():
    @functools.partial(
        pl.kernel,
        out_type=jax.ShapeDtypeStruct((_GPAD, 128), jnp.float32),
        mesh=plsc.VectorSubcoreMesh(core_axis_name="c", subcore_axis_name="s"),
        scratch_types=[
            pltpu.VMEM((_GPAD // _NW,), jnp.int32),
            pltpu.VMEM((_GPAD // _NW, 128), jnp.float32),
            pltpu.SemaphoreType.DMA,
        ],
    )
    def _sc_gather(cb_hbm, idx_hbm, out_hbm, idx_v, rows_v, sem):
        bpw = _GPAD // _NW
        wid = lax.axis_index("s") * 2 + lax.axis_index("c")
        base = wid * bpw
        pltpu.sync_copy(idx_hbm.at[pl.ds(base, bpw)], idx_v)
        pltpu.async_copy(cb_hbm.at[idx_v], rows_v, sem).wait()
        pltpu.sync_copy(rows_v, out_hbm.at[pl.ds(base, bpw)])

    return _sc_gather


def _vq(z, cb):
    rows = z.shape[0]
    nblk = rows // _BLK
    idx3 = pl.pallas_call(
        _argmin_body,
        grid=(nblk,),
        in_specs=[
            pl.BlockSpec((_BLK, _LAT), lambda i: (i, 0)),
            pl.BlockSpec((_K, _LAT), lambda i: (0, 0)),
        ],
        out_specs=pl.BlockSpec((1, 1, _BLK), lambda i: (i, 0, 0)),
        out_shape=jax.ShapeDtypeStruct((nblk, 1, _BLK), jnp.int32),
    )(z, cb)
    idx = idx3.reshape(rows)
    idx_pad = jnp.concatenate([idx, jnp.zeros((_GPAD - rows,), jnp.int32)])
    cb_pad = jnp.pad(cb, ((0, 0), (0, 128 - _LAT)))
    quant = _make_sc_gather()(cb_pad, idx_pad)[:rows, :_LAT]
    rloss = pl.pallas_call(
        _loss_body,
        grid=(nblk,),
        in_specs=[
            pl.BlockSpec((_BLK, _LAT), lambda i: (i, 0)),
            pl.BlockSpec((_BLK, _LAT), lambda i: (i, 0)),
        ],
        out_specs=pl.BlockSpec((1, 1, _BLK), lambda i: (i, 0, 0)),
        out_shape=jax.ShapeDtypeStruct((nblk, 1, _BLK), jnp.float32),
    )(z, quant)
    loss = jnp.sum(rloss) / (rows * _LAT)
    return idx, quant, loss


def kernel(x, params):
    p = params
    out = _leaky(_batchnorm(_conv2d(x, p['enc_w0'], p['enc_b0'], 2, 1),
                            p['enc_g0'], p['enc_be0']))
    out = _leaky(_batchnorm(_conv2d(out, p['enc_w1'], p['enc_b1'], 2, 1),
                            p['enc_g1'], p['enc_be1']))
    out = _conv2d(out, p['enc_w2'], p['enc_b2'], 2, 1)
    out = _conv2d(out, p['preq_w'], p['preq_b'], 1, 0)
    Bn, lat, H, W = out.shape
    z = out.transpose(0, 2, 3, 1).reshape(Bn * H * W, lat)
    idx, quant, loss = _vq(z, p['codebook'])
    idx = idx.reshape(Bn, H, W)
    quant = quant.reshape(Bn, H, W, lat).transpose(0, 3, 1, 2)
    out = _conv2d_fast(quant, p['postq_w'], p['postq_b'], 1, 0)
    out = _leaky(_batchnorm(_conv_t2d_fast(out, p['dec_w0'], p['dec_b0'], 2, 4),
                            p['dec_g0'], p['dec_be0']))
    out = _leaky(_batchnorm(_conv_t2d_fast(out, p['dec_w1'], p['dec_b1'], 2, 4),
                            p['dec_g1'], p['dec_be1']))
    out = _dec2_tanh(out, p['dec_w2'], p['dec_b2'])
    return (out, idx, loss, loss)

# --- scband reference (transcript-rebuilt; emitter-appended) ---
"""Pipeline reference for scband-vqvae-53446573032171 (READ-ONLY COPY).

The authoritative reference and input builder live on the scoring server;
editing this copy changes nothing except your own understanding.
"""

import jax, jax.numpy as jnp
import numpy as np

B, C_IN, HW = 8, 3, 224
LAT, K = 64, 1024
ENC_CH = [3, 64, 128, 256]
DEC_CH = [256, 128, 64, 3]

def conv2d(x, w, b, stride, pad):
    out = jax.lax.conv_general_dilated(x, w, (stride, stride), [(pad, pad), (pad, pad)], dimension_numbers=('NCHW', 'OIHW', 'NCHW'))
    return out + b[None, :, None, None]

def conv_t2d(x, w, b, stride, k):
    # exact math of torch ConvTranspose2d(k, stride, padding=0); torch weight layout [in, out, kH, kW]
    w2 = jnp.flip(w, axis=(2, 3)).transpose(1, 0, 2, 3)
    Bn, C, H, W = x.shape
    xd = jnp.zeros((Bn, C, (H - 1) * stride + 1, (W - 1) * stride + 1), x.dtype)
    xd = xd.at[:, :, ::stride, ::stride].set(x)
    out = jax.lax.conv_general_dilated(xd, w2, (1, 1), [(k - 1, k - 1), (k - 1, k - 1)], dimension_numbers=('NCHW', 'OIHW', 'NCHW'))
    return out + b[None, :, None, None]

def batchnorm(x, g, b, eps=1e-5):
    # training-mode BatchNorm2d (biased batch var), matching torch default train() state
    m = jnp.mean(x, axis=(0, 2, 3), keepdims=True)
    v = jnp.var(x, axis=(0, 2, 3), keepdims=True)
    return g[None, :, None, None] * (x - m) / jnp.sqrt(v + eps) + b[None, :, None, None]

def leaky(x):
    return jnp.where(x >= 0, x, 0.01 * x)

def setup_inputs(seed=0):
    key = jax.random.key(seed)
    ks = jax.random.split(key, 16)
    x = jax.random.normal(ks[0], (B, C_IN, HW, HW), jnp.float32)
    params = {}
    for i in range(3):
        params['enc_w%d' % i] = jax.random.normal(ks[1 + i], (ENC_CH[i + 1], ENC_CH[i], 4, 4), jnp.float32) * 0.05
        params['enc_b%d' % i] = jnp.zeros((ENC_CH[i + 1],), jnp.float32)
    for i in range(2):
        params['enc_g%d' % i] = jnp.ones((ENC_CH[i + 1],), jnp.float32)
        params['enc_be%d' % i] = jnp.zeros((ENC_CH[i + 1],), jnp.float32)
    params['preq_w'] = jax.random.normal(ks[4], (LAT, ENC_CH[-1], 1, 1), jnp.float32) * 0.05
    params['preq_b'] = jnp.zeros((LAT,), jnp.float32)
    params['codebook'] = jax.random.normal(ks[5], (K, LAT), jnp.float32)
    params['postq_w'] = jax.random.normal(ks[6], (DEC_CH[0], LAT, 1, 1), jnp.float32) * 0.05
    params['postq_b'] = jnp.zeros((DEC_CH[0],), jnp.float32)
    for i in range(3):
        params['dec_w%d' % i] = jax.random.normal(ks[7 + i], (DEC_CH[i], DEC_CH[i + 1], 4, 4), jnp.float32) * 0.05
        params['dec_b%d' % i] = jnp.zeros((DEC_CH[i + 1],), jnp.float32)
    for i in range(2):
        params['dec_g%d' % i] = jnp.ones((DEC_CH[i + 1],), jnp.float32)
        params['dec_be%d' % i] = jnp.zeros((DEC_CH[i + 1],), jnp.float32)
    return {'x': x, 'params': params}

def forward(x, p):
    out = leaky(batchnorm(conv2d(x, p['enc_w0'], p['enc_b0'], 2, 1), p['enc_g0'], p['enc_be0']))
    out = leaky(batchnorm(conv2d(out, p['enc_w1'], p['enc_b1'], 2, 1), p['enc_g1'], p['enc_be1']))
    out = conv2d(out, p['enc_w2'], p['enc_b2'], 2, 1)
    out = conv2d(out, p['preq_w'], p['preq_b'], 1, 0)
    Bn, lat, H, W = out.shape
    z = out.transpose(0, 2, 3, 1).reshape(Bn, H * W, lat)
    cb = p['codebook']
    d2 = jnp.sum(z ** 2, -1, keepdims=True) - 2.0 * jnp.einsum('bnd,kd->bnk', z, cb) + jnp.sum(cb ** 2, -1)[None, None, :]
    dist = jnp.sqrt(jnp.maximum(d2, 0.0))
    idx = jnp.argmin(dist, axis=-1)
    quant = jnp.take(cb, idx.reshape(-1), axis=0)
    zf = z.reshape(-1, lat)
    cb_loss = jnp.mean((jax.lax.stop_gradient(zf) - quant) ** 2)
    cm_loss = jnp.mean((zf - jax.lax.stop_gradient(quant)) ** 2)
    quant = jax.lax.stop_gradient(quant - zf) + zf
    quant = quant.reshape(Bn, H, W, lat).transpose(0, 3, 1, 2)
    idx = idx.reshape(Bn, H, W)
    out = conv2d(quant, p['postq_w'], p['postq_b'], 1, 0)
    out = leaky(batchnorm(conv_t2d(out, p['dec_w0'], p['dec_b0'], 2, 4), p['dec_g0'], p['dec_be0']))
    out = leaky(batchnorm(conv_t2d(out, p['dec_w1'], p['dec_b1'], 2, 4), p['dec_g1'], p['dec_be1']))
    out = jnp.tanh(conv_t2d(out, p['dec_w2'], p['dec_b2'], 2, 4))
    return (out, idx, cb_loss, cm_loss)

def reference(x, params):
    return forward(x, params)

if __name__ == "__main__":
    import jax
    _d = setup_inputs()
    print(jax.jit(kernel)(*tuple(_d.values())))

</pallas_src>

<mosaic_0001>
#map = affine_map<(d0, d1) -> (0, 0)>
#map1 = affine_map<(d0, d1) -> (0)>
module attributes {stable_mosaic.version = 14 : i64} {
  func.func @_sc_gather(%arg0: i32, %arg1: i32, %arg2: memref<1024x128xf32, #tpu.memory_space<hbm>>, %arg3: memref<6400xi32, #tpu.memory_space<hbm>>, %arg4: memref<6400x128xf32, #tpu.memory_space<hbm>>, %arg5: memref<200xi32, #tpu.memory_space<vmem>>, %arg6: memref<200x128xf32, #tpu.memory_space<vmem>>, %arg7: memref<!tpu.dma_semaphore, #tpu.memory_space<semaphore_mem>>) attributes {dimension_semantics = [#tpu.dimension_semantics<core_parallel>, #tpu.dimension_semantics<subcore_parallel>], iteration_bounds = array<i64: 2, 16>, scalar_prefetch = 0 : i64, scratch_operands = 3 : i64, tpu.core_type = #tpu.core_type<sc_vector_subcore>, window_params = [{transform_indices = #map}, {transform_indices = #map1}, {transform_indices = #map}]} {
    %mul3A = arith.constant 2 : i32
    %mul3A_0 = arith.muli %arg1, %mul3A : i32
    %add3A = arith.addi %mul3A_0, %arg0 : i32
    %mul3A_1 = arith.constant 200 : i32
    %mul3A_2 = arith.muli %add3A, %mul3A_1 : i32
    "tpu.region"() ({
      %run_scoped3A = tpu.sem_alloc : memref<!tpu.dma_semaphore, #tpu.memory_space<semaphore_mem>>
      %dma_start3A_7 = tpu.memref_slice %arg3[%mul3A_2] : memref<6400xi32, #tpu.memory_space<hbm>> -> memref<200xi32, #tpu.memory_space<hbm>>
      %dma_start3A_8 = tpu.memref_slice %arg3[%mul3A_2] : memref<6400xi32, #tpu.memory_space<hbm>> -> memref<200xi32, #tpu.memory_space<hbm>>
      tpu.enqueue_dma source(%dma_start3A_8 : memref<200xi32, #tpu.memory_space<hbm>>) target(%arg5 : memref<200xi32, #tpu.memory_space<vmem>>) target_semaphore(%run_scoped3A : memref<!tpu.dma_semaphore, #tpu.memory_space<semaphore_mem>>)
      %dma_wait3A_9 = tpu.memref_slice %arg3[%mul3A_2] : memref<6400xi32, #tpu.memory_space<hbm>> -> memref<200xi32, #tpu.memory_space<hbm>>
      %dma_wait3A_10 = tpu.memref_slice %arg3[%mul3A_2] : memref<6400xi32, #tpu.memory_space<hbm>> -> memref<200xi32, #tpu.memory_space<hbm>>
      tpu.wait_dma2 semaphore(%run_scoped3A : memref<!tpu.dma_semaphore, #tpu.memory_space<semaphore_mem>>) src(%dma_wait3A_10 : memref<200xi32, #tpu.memory_space<hbm>>) dst(%arg5 : memref<200xi32, #tpu.memory_space<vmem>>)
      tpu.yield
    }) : () -> ()
    %dma_start3A = arith.constant 0 : i32
    %dma_start3A_3 = arith.constant 0 : i32
    %dma_start3A_4 = tpu.memref_slice %arg2[%dma_start3A, %dma_start3A_3] : memref<1024x128xf32, #tpu.memory_space<hbm>> -> memref<1024x128xf32, #tpu.memory_space<hbm>>
    tpu.enqueue_indirect_dma source(%dma_start3A_4 : memref<1024x128xf32, #tpu.memory_space<hbm>>) target(%arg6 : memref<200x128xf32, #tpu.memory_space<vmem>>) offsets(%arg5 : memref<200xi32, #tpu.memory_space<vmem>>) semaphore(%arg7 : memref<!tpu.dma_semaphore, #tpu.memory_space<semaphore_mem>>)
    %dma_wait3A = arith.constant 0 : i32
    %dma_wait3A_5 = arith.constant 0 : i32
    %dma_wait3A_6 = tpu.memref_slice %arg2[%dma_wait3A, %dma_wait3A_5] : memref<1024x128xf32, #tpu.memory_space<hbm>> -> memref<1024x128xf32, #tpu.memory_space<hbm>>
    tpu.wait_indirect_dma semaphore(%arg7 : memref<!tpu.dma_semaphore, #tpu.memory_space<semaphore_mem>>) src(%dma_wait3A_6 : memref<1024x128xf32, #tpu.memory_space<hbm>>) dst(%arg6 : memref<200x128xf32, #tpu.memory_space<vmem>>)
    "tpu.region"() ({
      %run_scoped3A = tpu.sem_alloc : memref<!tpu.dma_semaphore, #tpu.memory_space<semaphore_mem>>
      %dma_start3A_7 = arith.constant 0 : i32
      %dma_start3A_8 = tpu.memref_slice %arg4[%mul3A_2, %dma_start3A_7] : memref<6400x128xf32, #tpu.memory_space<hbm>> -> memref<200x128xf32, #tpu.memory_space<hbm>>
      %dma_start3A_9 = arith.constant 0 : i32
      %dma_start3A_10 = tpu.memref_slice %arg4[%mul3A_2, %dma_start3A_9] : memref<6400x128xf32, #tpu.memory_space<hbm>> -> memref<200x128xf32, #tpu.memory_space<hbm>>
      tpu.enqueue_dma source(%arg6 : memref<200x128xf32, #tpu.memory_space<vmem>>) target(%dma_start3A_10 : memref<200x128xf32, #tpu.memory_space<hbm>>) target_semaphore(%run_scoped3A : memref<!tpu.dma_semaphore, #tpu.memory_space<semaphore_mem>>)
      %dma_wait3A_11 = arith.constant 0 : i32
      %dma_wait3A_12 = tpu.memref_slice %arg4[%mul3A_2, %dma_wait3A_11] : memref<6400x128xf32, #tpu.memory_space<hbm>> -> memref<200x128xf32, #tpu.memory_space<hbm>>
      %dma_wait3A_13 = arith.constant 0 : i32
      %dma_wait3A_14 = tpu.memref_slice %arg4[%mul3A_2, %dma_wait3A_13] : memref<6400x128xf32, #tpu.memory_space<hbm>> -> memref<200x128xf32, #tpu.memory_space<hbm>>
      tpu.wait_dma2 semaphore(%run_scoped3A : memref<!tpu.dma_semaphore, #tpu.memory_space<semaphore_mem>>) src(%arg6 : memref<200x128xf32, #tpu.memory_space<vmem>>) dst(%dma_wait3A_14 : memref<200x128xf32, #tpu.memory_space<hbm>>)
      tpu.yield
    }) : () -> ()
    return
  }
}

module attributes {stable_mosaic.version = 14 : i64} {
  func.func @_argmin_body(%arg0: i32, %arg1: memref<448x64xf32, #tpu.memory_space<vmem>>, %arg2: memref<1024x64xf32, #tpu.memory_space<vmem>>, %arg3: memref<1x1x448xi32, #tpu.memory_space<vmem>>) attributes {dimension_semantics = [#tpu.dimension_semantics<arbitrary>], iteration_bounds = array<i64: 14>, scalar_prefetch = 0 : i64, scratch_operands = 0 : i64, tpu.core_type = #tpu.core_type<tc>, window_params = [{transform_indices = @transform_0, window_bounds = array<i64: 448, 64>}, {pipeline_mode = #tpu.pipeline_mode<synchronous>, transform_indices = @transform_1, window_bounds = array<i64: 1024, 64>}, {transform_indices = @transform_2, window_bounds = array<i64: 1, 1, 448>}]} {
    %get3A = arith.constant 0 : index
    %get3A_0 = arith.constant 0 : index
    %get3A_1 = vector.load %arg1[%get3A, %get3A_0] : memref<448x64xf32, #tpu.memory_space<vmem>>, vector<448x64xf32>
    %get3A_2 = arith.constant 0 : index
    %get3A_3 = arith.constant 0 : index
    %get3A_4 = vector.load %arg2[%get3A_2, %get3A_3] : memref<1024x64xf32, #tpu.memory_space<vmem>>, vector<1024x64xf32>
    %dot_general3A = arith.constant dense<0.000000e+00> : vector<448x1024xf32>
    %dot_general3A_5 = tpu.matmul %get3A_1, %get3A_4, %dot_general3A {dimension_numbers = #tpu.dot_dimension_numbers<[1], [1], [0], [0], [0, 0, 1, 0], [], []>, transpose_lhs_hint = false} : vector<448x64xf32>, vector<1024x64xf32>, vector<448x1024xf32> -> vector<448x1024xf32>
    %mul3A = arith.mulf %get3A_1, %get3A_1 : vector<448x64xf32>
    %reduce_sum3A = arith.constant dense<0.000000e+00> : vector<448xf32>
    %reduce_sum3A_6 = vector.multi_reduction <add>, %mul3A, %reduce_sum3A [1] : vector<448x64xf32> to vector<448xf32>
    %broadcast_in_dim3A = vector.shape_cast %reduce_sum3A_6 : vector<448xf32> to vector<448x1xf32>
    %mul3A_7 = arith.mulf %get3A_4, %get3A_4 : vector<1024x64xf32>
    %reduce_sum3A_8 = arith.constant dense<0.000000e+00> : vector<1024xf32>
    %reduce_sum3A_9 = vector.multi_reduction <add>, %mul3A_7, %reduce_sum3A_8 [1] : vector<1024x64xf32> to vector<1024xf32>
    %mul3A_10 = arith.constant 2.000000e+00 : f32
    %mul3A_11 = vector.broadcast %mul3A_10 : f32 to vector<448x1024xf32>
    %mul3A_12 = arith.mulf %mul3A_11, %dot_general3A_5 : vector<448x1024xf32>
    %sub3A = vector.broadcast %broadcast_in_dim3A : vector<448x1xf32> to vector<448x1024xf32>
    %sub3A_13 = arith.subf %sub3A, %mul3A_12 : vector<448x1024xf32>
    %broadcast_in_dim3A_14 = vector.shape_cast %reduce_sum3A_9 : vector<1024xf32> to vector<1x1024xf32>
    %add3A = vector.broadcast %broadcast_in_dim3A_14 : vector<1x1024xf32> to vector<448x1024xf32>
    %add3A_15 = arith.addf %sub3A_13, %add3A : vector<448x1024xf32>
    %max3A = arith.constant 0.000000e+00 : f32
    %max3A_16 = vector.broadcast %max3A : f32 to vector<448x1024xf32>
    %max3A_17 = arith.maximumf %add3A_15, %max3A_16 : vector<448x1024xf32>
    %sqrt3A = math.sqrt %max3A_17 : vector<448x1024xf32>
    %reduce_min3A = arith.constant dense<0x7F800000> : vector<448xf32>
    %reduce_min3A_18 = vector.multi_reduction <minimumf>, %sqrt3A, %reduce_min3A [1] : vector<448x1024xf32> to vector<448xf32>
    %broadcast_in_dim3A_19 = vector.shape_cast %reduce_min3A_18 : vector<448xf32> to vector<448x1xf32>
    %iota3A = tpu.iota {dimensions = array<i32: 1>} : vector<448x1024xi32>
    %eq3A = vector.broadcast %broadcast_in_dim3A_19 : vector<448x1xf32> to vector<448x1024xf32>
    %eq3A_20 = arith.cmpf oeq, %sqrt3A, %eq3A : vector<448x1024xf32>
    %jit3A = arith.constant 1024 : i32
    %broadcast_in_dim3A_21 = vector.broadcast %jit3A : i32 to vector<448x1024xi32>
    %select_n3A = arith.select %eq3A_20, %iota3A, %broadcast_in_dim3A_21 : vector<448x1024xi1>, vector<448x1024xi32>
    %reduce_min3A_22 = arith.constant dense<2147483647> : vector<448xi32>
    %reduce_min3A_23 = vector.multi_reduction <minsi>, %select_n3A, %reduce_min3A_22 [1] : vector<448x1024xi32> to vector<448xi32>
    %swap3A = arith.constant 0 : index
    %swap3A_24 = arith.constant 0 : index
    %swap3A_25 = arith.constant 0 : index
    %swap3A_26 = vector.load %arg3[%swap3A, %swap3A_24, %swap3A_25] : memref<1x1x448xi32, #tpu.memory_space<vmem>>, vector<1x1x448xi32>
    %swap3A_27 = vector.shape_cast %swap3A_26 : vector<1x1x448xi32> to vector<448xi32>
    %swap3A_28 = vector.shape_cast %reduce_min3A_23 : vector<448xi32> to vector<1x1x448xi32>
    tpu.vector_store %arg3[%swap3A, %swap3A_24, %swap3A_25], %swap3A_28 {strides = array<i32>} : memref<1x1x448xi32, #tpu.memory_space<vmem>>, vector<1x1x448xi32>,
    return
  }
  func.func @transform_0(%arg0: i32) -> (i32, i32) {
    %c0_i32 = arith.constant 0 : i32
    %c0_i32_0 = arith.constant 0 : i32
    return %arg0, %c0_i32 : i32, i32
  }
  func.func @transform_1(%arg0: i32) -> (i32, i32) {
    %c0_i32 = arith.constant 0 : i32
    %c0_i32_0 = arith.constant 0 : i32
    %c0_i32_1 = arith.constant 0 : i32
    return %c0_i32, %c0_i32_0 : i32, i32
  }
  func.func @transform_2(%arg0: i32) -> (i32, i32, i32) {
    %c0_i32 = arith.constant 0 : i32
    %c0_i32_0 = arith.constant 0 : i32
    %c0_i32_1 = arith.constant 0 : i32
    return %arg0, %c0_i32, %c0_i32_0 : i32, i32, i32
  }
}

module attributes {stable_mosaic.version = 14 : i64} {
  func.func @_loss_body(%arg0: i32, %arg1: memref<448x64xf32, #tpu.memory_space<vmem>>, %arg2: memref<448x64xf32, #tpu.memory_space<vmem>>, %arg3: memref<1x1x448xf32, #tpu.memory_space<vmem>>) attributes {dimension_semantics = [#tpu.dimension_semantics<arbitrary>], iteration_bounds = array<i64: 14>, scalar_prefetch = 0 : i64, scratch_operands = 0 : i64, tpu.core_type = #tpu.core_type<tc>, window_params = [{transform_indices = @transform_0, window_bounds = array<i64: 448, 64>}, {transform_indices = @transform_1, window_bounds = array<i64: 448, 64>}, {transform_indices = @transform_2, window_bounds = array<i64: 1, 1, 448>}]} {
    %get3A = arith.constant 0 : index
    %get3A_0 = arith.constant 0 : index
    %get3A_1 = vector.load %arg1[%get3A, %get3A_0] : memref<448x64xf32, #tpu.memory_space<vmem>>, vector<448x64xf32>
    %get3A_2 = arith.constant 0 : index
    %get3A_3 = arith.constant 0 : index
    %get3A_4 = vector.load %arg2[%get3A_2, %get3A_3] : memref<448x64xf32, #tpu.memory_space<vmem>>, vector<448x64xf32>
    %sub3A = arith.subf %get3A_1, %get3A_4 : vector<448x64xf32>
    %mul3A = arith.mulf %sub3A, %sub3A : vector<448x64xf32>
    %reduce_sum3A = arith.constant dense<0.000000e+00> : vector<448xf32>
    %reduce_sum3A_5 = vector.multi_reduction <add>, %mul3A, %reduce_sum3A [1] : vector<448x64xf32> to vector<448xf32>
    %swap3A = arith.constant 0 : index
    %swap3A_6 = arith.constant 0 : index
    %swap3A_7 = arith.constant 0 : index
    %swap3A_8 = vector.load %arg3[%swap3A, %swap3A_6, %swap3A_7] : memref<1x1x448xf32, #tpu.memory_space<vmem>>, vector<1x1x448xf32>
    %swap3A_9 = vector.shape_cast %swap3A_8 : vector<1x1x448xf32> to vector<448xf32>
    %swap3A_10 = vector.shape_cast %reduce_sum3A_5 : vector<448xf32> to vector<1x1x448xf32>
    tpu.vector_store %arg3[%swap3A, %swap3A_6, %swap3A_7], %swap3A_10 {strides = array<i32>} : memref<1x1x448xf32, #tpu.memory_space<vmem>>, vector<1x1x448xf32>,
    return
  }
  func.func @transform_0(%arg0: i32) -> (i32, i32) {
    %c0_i32 = arith.constant 0 : i32
    %c0_i32_0 = arith.constant 0 : i32
    return %arg0, %c0_i32 : i32, i32
  }
  func.func @transform_1(%arg0: i32) -> (i32, i32) {
    %c0_i32 = arith.constant 0 : i32
    %c0_i32_0 = arith.constant 0 : i32
    return %arg0, %c0_i32 : i32, i32
  }
  func.func @transform_2(%arg0: i32) -> (i32, i32, i32) {
    %c0_i32 = arith.constant 0 : i32
    %c0_i32_0 = arith.constant 0 : i32
    %c0_i32_1 = arith.constant 0 : i32
    return %arg0, %c0_i32, %c0_i32_0 : i32, i32, i32
  }
}

module attributes {stable_mosaic.version = 14 : i64} {
  func.func @_dec2_body(%arg0: i32, %arg1: memref<1x64x15360xf32, #tpu.memory_space<vmem>>, %arg2: memref<2x2x16x64xf32, #tpu.memory_space<vmem>>, %arg3: memref<16x128xf32, #tpu.memory_space<vmem>>, %arg4: memref<2x128x256xf32, #tpu.memory_space<vmem>>, %arg5: memref<1x2x4x119x256xf32, #tpu.memory_space<vmem>>) attributes {dimension_semantics = [#tpu.dimension_semantics<arbitrary>], iteration_bounds = array<i64: 8>, scalar_prefetch = 0 : i64, scratch_operands = 0 : i64, tpu.core_type = #tpu.core_type<tc>, window_params = [{transform_indices = @transform_0, window_bounds = array<i64: 1, 64, 15360>}, {pipeline_mode = #tpu.pipeline_mode<synchronous>, transform_indices = @transform_1, window_bounds = array<i64: 2, 2, 16, 64>}, {pipeline_mode = #tpu.pipeline_mode<synchronous>, transform_indices = @transform_2, window_bounds = array<i64: 16, 128>}, {pipeline_mode = #tpu.pipeline_mode<synchronous>, transform_indices = @transform_3, window_bounds = array<i64: 2, 128, 256>}, {transform_indices = @transform_4, window_bounds = array<i64: 1, 2, 4, 119, 256>}]} {
    %get3A = arith.constant 0 : index
    %get3A_0 = arith.constant 0 : index
    %get3A_1 = arith.constant 0 : index
    %get3A_2 = vector.load %arg1[%get3A, %get3A_0, %get3A_1] : memref<1x64x15360xf32, #tpu.memory_space<vmem>>, vector<1x64x15360xf32>
    %get3A_3 = vector.shape_cast %get3A_2 : vector<1x64x15360xf32> to vector<64x15360xf32>
    %slice3A = vector.extract_strided_slice %get3A_3 {offsets = [0, 128], sizes = [64, 15232], strides = [1, 1]} : vector<64x15360xf32> to vector<64x15232xf32>
    %slice3A_4 = vector.extract_strided_slice %get3A_3 {offsets = [0, 0], sizes = [64, 15232], strides = [1, 1]} : vector<64x15360xf32> to vector<64x15232xf32>
    %get3A_5 = arith.constant 0 : index
    %get3A_6 = arith.constant 0 : index
    %get3A_7 = arith.constant 0 : index
    %get3A_8 = arith.constant 0 : index
    %get3A_9 = vector.load %arg2[%get3A_5, %get3A_6, %get3A_7, %get3A_8] : memref<2x2x16x64xf32, #tpu.memory_space<vmem>>, vector<1x1x16x64xf32>
    %get3A_10 = vector.shape_cast %get3A_9 : vector<1x1x16x64xf32> to vector<16x64xf32>
    %dot_general3A = arith.constant dense<0.000000e+00> : vector<16x15232xf32>
    %dot_general3A_11 = tpu.matmul %get3A_10, %slice3A, %dot_general3A {dimension_numbers = #tpu.dot_dimension_numbers<[1], [0], [0], [1], [0, 0, 1, 1], [], []>, transpose_lhs_hint = false} : vector<16x64xf32>, vector<64x15232xf32>, vector<16x15232xf32> -> vector<16x15232xf32>
    %get3A_12 = arith.constant 1 : index
    %get3A_13 = arith.constant 0 : index
    %get3A_14 = arith.constant 0 : index
    %get3A_15 = arith.constant 0 : index
    %get3A_16 = vector.load %arg2[%get3A_12, %get3A_13, %get3A_14, %get3A_15] : memref<2x2x16x64xf32, #tpu.memory_space<vmem>>, vector<1x1x16x64xf32>
    %get3A_17 = vector.shape_cast %get3A_16 : vector<1x1x16x64xf32> to vector<16x64xf32>
    %dot_general3A_18 = arith.constant dense<0.000000e+00> : vector<16x15232xf32>
    %dot_general3A_19 = tpu.matmul %get3A_17, %slice3A_4, %dot_general3A_18 {dimension_numbers = #tpu.dot_dimension_numbers<[1], [0], [0], [1], [0, 0, 1, 1], [], []>, transpose_lhs_hint = false} : vector<16x64xf32>, vector<64x15232xf32>, vector<16x15232xf32> -> vector<16x15232xf32>
    %add3A = arith.addf %dot_general3A_11, %dot_general3A_19 : vector<16x15232xf32>
    %get3A_20 = arith.constant 0 : index
    %get3A_21 = arith.constant 1 : index
    %get3A_22 = arith.constant 0 : index
    %get3A_23 = arith.constant 0 : index
    %get3A_24 = vector.load %arg2[%get3A_20, %get3A_21, %get3A_22, %get3A_23] : memref<2x2x16x64xf32, #tpu.memory_space<vmem>>, vector<1x1x16x64xf32>
    %get3A_25 = vector.shape_cast %get3A_24 : vector<1x1x16x64xf32> to vector<16x64xf32>
    %dot_general3A_26 = arith.constant dense<0.000000e+00> : vector<16x15232xf32>
    %dot_general3A_27 = tpu.matmul %get3A_25, %slice3A, %dot_general3A_26 {dimension_numbers = #tpu.dot_dimension_numbers<[1], [0], [0], [1], [0, 0, 1, 1], [], []>, transpose_lhs_hint = false} : vector<16x64xf32>, vector<64x15232xf32>, vector<16x15232xf32> -> vector<16x15232xf32>
    %get3A_28 = arith.constant 1 : index
    %get3A_29 = arith.constant 1 : index
    %get3A_30 = arith.constant 0 : index
    %get3A_31 = arith.constant 0 : index
    %get3A_32 = vector.load %arg2[%get3A_28, %get3A_29, %get3A_30, %get3A_31] : memref<2x2x16x64xf32, #tpu.memory_space<vmem>>, vector<1x1x16x64xf32>
    %get3A_33 = vector.shape_cast %get3A_32 : vector<1x1x16x64xf32> to vector<16x64xf32>
    %dot_general3A_34 = arith.constant dense<0.000000e+00> : vector<16x15232xf32>
    %dot_general3A_35 = tpu.matmul %get3A_33, %slice3A_4, %dot_general3A_34 {dimension_numbers = #tpu.dot_dimension_numbers<[1], [0], [0], [1], [0, 0, 1, 1], [], []>, transpose_lhs_hint = false} : vector<16x64xf32>, vector<64x15232xf32>, vector<16x15232xf32> -> vector<16x15232xf32>
    %add3A_36 = arith.addf %dot_general3A_27, %dot_general3A_35 : vector<16x15232xf32>
    %slice3A_37 = vector.extract_strided_slice %add3A {offsets = [0, 1], sizes = [16, 15231], strides = [1, 1]} : vector<16x15232xf32> to vector<16x15231xf32>
    %broadcast_in_dim3A = arith.constant 0.000000e+00 : f32
    %broadcast_in_dim3A_38 = vector.broadcast %broadcast_in_dim3A : f32 to vector<16x1xf32>
    %concatenate3A = tpu.concatenate %slice3A_37, %broadcast_in_dim3A_38 in 1 : vector<16x15231xf32>, vector<16x1xf32> -> vector<16x15232xf32>
    %add3A_39 = arith.addf %add3A_36, %concatenate3A : vector<16x15232xf32>
    %get3A_40 = arith.constant 0 : index
    %get3A_41 = arith.constant 0 : index
    %get3A_42 = vector.load %arg3[%get3A_40, %get3A_41] : memref<16x128xf32, #tpu.memory_space<vmem>>, vector<16x1xf32>
    %add3A_43 = vector.broadcast %get3A_42 : vector<16x1xf32> to vector<16x15232xf32>
    %add3A_44 = arith.addf %add3A_39, %add3A_43 : vector<16x15232xf32>
    %tanh3A = math.tanh %add3A_44 : vector<16x15232xf32>
    %reshape3A = vector.shape_cast %tanh3A : vector<16x15232xf32> to vector<16x119x128xf32>
    %broadcast_in_dim3A_45 = arith.constant 0.000000e+00 : f32
    %broadcast_in_dim3A_46 = vector.broadcast %broadcast_in_dim3A_45 : f32 to vector<476x256xf32>
    %slice3A_47 = vector.extract_strided_slice %reshape3A {offsets = [0, 0, 0], sizes = [4, 119, 128], strides = [1, 1, 1]} : vector<16x119x128xf32> to vector<4x119x128xf32>
    %reshape3A_48 = vector.shape_cast %slice3A_47 : vector<4x119x128xf32> to vector<476x128xf32>
    %get3A_49 = arith.constant 0 : index
    %get3A_50 = arith.constant 0 : index
    %get3A_51 = arith.constant 0 : index
    %get3A_52 = vector.load %arg4[%get3A_49, %get3A_50, %get3A_51] : memref<2x128x256xf32, #tpu.memory_space<vmem>>, vector<1x128x256xf32>
    %get3A_53 = vector.shape_cast %get3A_52 : vector<1x128x256xf32> to vector<128x256xf32>
    %dot_general3A_54 = arith.constant dense<0.000000e+00> : vector<476x256xf32>
    %dot_general3A_55 = tpu.matmul %reshape3A_48, %get3A_53, %dot_general3A_54 {dimension_numbers = #tpu.dot_dimension_numbers<[1], [0], [0], [1], [0, 0, 1, 1], [], []>, transpose_lhs_hint = false} : vector<476x128xf32>, vector<128x256xf32>, vector<476x256xf32> -> vector<476x256xf32>
    %add3A_56 = arith.addf %broadcast_in_dim3A_46, %dot_general3A_55 : vector<476x256xf32>
    %slice3A_57 = vector.extract_strided_slice %reshape3A {offsets = [4, 0, 0], sizes = [4, 119, 128], strides = [1, 1, 1]} : vector<16x119x128xf32> to vector<4x119x128xf32>
    %reshape3A_58 = vector.shape_cast %slice3A_57 : vector<4x119x128xf32> to vector<476x128xf32>
    %get3A_59 = arith.constant 1 : index
    %get3A_60 = arith.constant 0 : index
    %get3A_61 = arith.constant 0 : index
    %get3A_62 = vector.load %arg4[%get3A_59, %get3A_60, %get3A_61] : memref<2x128x256xf32, #tpu.memory_space<vmem>>, vector<1x128x256xf32>
    %get3A_63 = vector.shape_cast %get3A_62 : vector<1x128x256xf32> to vector<128x256xf32>
    %dot_general3A_64 = arith.constant dense<0.000000e+00> : vector<476x256xf32>
    %dot_general3A_65 = tpu.matmul %reshape3A_58, %get3A_63, %dot_general3A_64 {dimension_numbers = #tpu.dot_dimension_numbers<[1], [0], [0], [1], [0, 0, 1, 1], [], []>, transpose_lhs_hint = false} : vector<476x128xf32>, vector<128x256xf32>, vector<476x256xf32> -> vector<476x256xf32>
    %add3A_66 = arith.addf %add3A_56, %dot_general3A_65 : vector<476x256xf32>
    %reshape3A_67 = vector.shape_cast %add3A_66 : vector<476x256xf32> to vector<4x119x256xf32>
    %swap3A = arith.constant 0 : index
    %swap3A_68 = arith.constant 0 : index
    %swap3A_69 = arith.constant 0 : index
    %swap3A_70 = arith.constant 0 : index
    %swap3A_71 = arith.constant 0 : index
    %swap3A_72 = vector.load %arg5[%swap3A, %swap3A_68, %swap3A_69, %swap3A_70, %swap3A_71] : memref<1x2x4x119x256xf32, #tpu.memory_space<vmem>>, vector<1x1x4x119x256xf32>
    %swap3A_73 = vector.shape_cast %swap3A_72 : vector<1x1x4x119x256xf32> to vector<4x119x256xf32>
    %swap3A_74 = vector.shape_cast %reshape3A_67 : vector<4x119x256xf32> to vector<1x1x4x119x256xf32>
    tpu.vector_store %arg5[%swap3A, %swap3A_68, %swap3A_69, %swap3A_70, %swap3A_71], %swap3A_74 {strides = array<i32>} : memref<1x2x4x119x256xf32, #tpu.memory_space<vmem>>, vector<1x1x4x119x256xf32>,
    %broadcast_in_dim3A_75 = arith.constant 0.000000e+00 : f32
    %broadcast_in_dim3A_76 = vector.broadcast %broadcast_in_dim3A_75 : f32 to vector<476x256xf32>
    %slice3A_77 = vector.extract_strided_slice %reshape3A {offsets = [8, 0, 0], sizes = [4, 119, 128], strides = [1, 1, 1]} : vector<16x119x128xf32> to vector<4x119x128xf32>
    %reshape3A_78 = vector.shape_cast %slice3A_77 : vector<4x119x128xf32> to vector<476x128xf32>
    %get3A_79 = arith.constant 0 : index
    %get3A_80 = arith.constant 0 : index
    %get3A_81 = arith.constant 0 : index
    %get3A_82 = vector.load %arg4[%get3A_79, %get3A_80, %get3A_81] : memref<2x128x256xf32, #tpu.memory_space<vmem>>, vector<1x128x256xf32>
    %get3A_83 = vector.shape_cast %get3A_82 : vector<1x128x256xf32> to vector<128x256xf32>
    %dot_general3A_84 = arith.constant dense<0.000000e+00> : vector<476x256xf32>
    %dot_general3A_85 = tpu.matmul %reshape3A_78, %get3A_83, %dot_general3A_84 {dimension_numbers = #tpu.dot_dimension_numbers<[1], [0], [0], [1], [0, 0, 1, 1], [], []>, transpose_lhs_hint = false} : vector<476x128xf32>, vector<128x256xf32>, vector<476x256xf32> -> vector<476x256xf32>
    %add3A_86 = arith.addf %broadcast_in_dim3A_76, %dot_general3A_85 : vector<476x256xf32>
    %slice3A_87 = vector.extract_strided_slice %reshape3A {offsets = [12, 0, 0], sizes = [4, 119, 128], strides = [1, 1, 1]} : vector<16x119x128xf32> to vector<4x119x128xf32>
    %reshape3A_88 = vector.shape_cast %slice3A_87 : vector<4x119x128xf32> to vector<476x128xf32>
    %get3A_89 = arith.constant 1 : index
    %get3A_90 = arith.constant 0 : index
    %get3A_91 = arith.constant 0 : index
    %get3A_92 = vector.load %arg4[%get3A_89, %get3A_90, %get3A_91] : memref<2x128x256xf32, #tpu.memory_space<vmem>>, vector<1x128x256xf32>
    %get3A_93 = vector.shape_cast %get3A_92 : vector<1x128x256xf32> to vector<128x256xf32>
    %dot_general3A_94 = arith.constant dense<0.000000e+00> : vector<476x256xf32>
    %dot_general3A_95 = tpu.matmul %reshape3A_88, %get3A_93, %dot_general3A_94 {dimension_numbers = #tpu.dot_dimension_numbers<[1], [0], [0], [1], [0, 0, 1, 1], [], []>, transpose_lhs_hint = false} : vector<476x128xf32>, vector<128x256xf32>, vector<476x256xf32> -> vector<476x256xf32>
    %add3A_96 = arith.addf %add3A_86, %dot_general3A_95 : vector<476x256xf32>
    %reshape3A_97 = vector.shape_cast %add3A_96 : vector<476x256xf32> to vector<4x119x256xf32>
    %swap3A_98 = arith.constant 0 : index
    %swap3A_99 = arith.constant 1 : index
    %swap3A_100 = arith.constant 0 : index
    %swap3A_101 = arith.constant 0 : index
    %swap3A_102 = arith.constant 0 : index
    %swap3A_103 = vector.load %arg5[%swap3A_98, %swap3A_99, %swap3A_100, %swap3A_101, %swap3A_102] : memref<1x2x4x119x256xf32, #tpu.memory_space<vmem>>, vector<1x1x4x119x256xf32>
    %swap3A_104 = vector.shape_cast %swap3A_103 : vector<1x1x4x119x256xf32> to vector<4x119x256xf32>
    %swap3A_105 = vector.shape_cast %reshape3A_97 : vector<4x119x256xf32> to vector<1x1x4x119x256xf32>
    tpu.vector_store %arg5[%swap3A_98, %swap3A_99, %swap3A_100, %swap3A_101, %swap3A_102], %swap3A_105 {strides = array<i32>} : memref<1x2x4x119x256xf32, #tpu.memory_space<vmem>>, vector<1x1x4x119x256xf32>,
    return
  }
  func.func @transform_0(%arg0: i32) -> (i32, i32, i32) {
    %c0_i32 = arith.constant 0 : i32
    %c0_i32_0 = arith.constant 0 : i32
    %c0_i32_1 = arith.constant 0 : i32
    return %arg0, %c0_i32, %c0_i32_0 : i32, i32, i32
  }
  func.func @transform_1(%arg0: i32) -> (i32, i32, i32, i32) {
    %c0_i32 = arith.constant 0 : i32
    %c0_i32_0 = arith.constant 0 : i32
    %c0_i32_1 = arith.constant 0 : i32
    %c0_i32_2 = arith.constant 0 : i32
    %c0_i32_3 = arith.constant 0 : i32
    return %c0_i32, %c0_i32_0, %c0_i32_1, %c0_i32_2 : i32, i32, i32, i32
  }
  func.func @transform_2(%arg0: i32) -> (i32, i32) {
    %c0_i32 = arith.constant 0 : i32
    %c0_i32_0 = arith.constant 0 : i32
    %c0_i32_1 = arith.constant 0 : i32
    return %c0_i32, %c0_i32_0 : i32, i32
  }
  func.func @transform_3(%arg0: i32) -> (i32, i32, i32) {
    %c0_i32 = arith.constant 0 : i32
    %c0_i32_0 = arith.constant 0 : i32
    %c0_i32_1 = arith.constant 0 : i32
    %c0_i32_2 = arith.constant 0 : i32
    return %c0_i32, %c0_i32_0, %c0_i32_1 : i32, i32, i32
  }
  func.func @transform_4(%arg0: i32) -> (i32, i32, i32, i32, i32) {
    %c0_i32 = arith.constant 0 : i32
    %c0_i32_0 = arith.constant 0 : i32
    %c0_i32_1 = arith.constant 0 : i32
    %c0_i32_2 = arith.constant 0 : i32
    %c0_i32_3 = arith.constant 0 : i32
    return %arg0, %c0_i32, %c0_i32_0, %c0_i32_1, %c0_i32_2 : i32, i32, i32, i32, i32
  }
}

</mosaic_0001>

<sc_bundles>
// kernel: kernel.6.cloned.1.call-start
scs
__scs_entry_jumppad:
0x0: {  	(pc) =	sbr.rel $0x88, $3  }
0x1: {  	(tag) =	ssettag $0x0;
	lr =	simm.s32 $0x1  }
0x2: {  	[smem:$0x3F87] =	sst lr;
	_ =	strace $0xD0000000  }
0x3: {  	_ = 	snop  }
0x4: {  	_ = 	snop  }
0x5: {  	_ = 	snop  }
0x6: {  	_ = 	snop  }
0x7: {  	_ = 	snop  }
__scs_overlays_trampoline_lowered:
0x8: {  	[smem:$0x3F96] =	sst s0  }
0x9: {  	[smem:$0x3F97] =	sst s1  }
0xa: {  	[smem:$0x3F98] =	sst s2  }
0xb: {  	[smem:$0x3F99] =	sst s3  }
0xc: {  	[smem:$0x3F9A] =	sst s4  }
0xd: {  	[smem:$0x3F9B] =	sst s5  }
0xe: {  	[smem:$0x3F9C] =	sst s6  }
0xf: {  	[smem:$0x3F9D] =	sst s7  }
0x10: {  	[smem:$0x3F9E] =	sst s8  }
0x11: {  	[smem:$0x3F9F] =	sst s9;
	s0 =	simm.s32 @!p0 $0x0  }
0x12: {  	s1 =	sld [smem:$0x3F85];
	s0 =	simm.s32 @p0 $0x1  }
0x13: {  	[smem:$0x3FA0] =	sst s0;
	s0 =	simm.s32 @!p1 $0x0  }
0x14: {  	s2 =	sld [smem:$0x3F84];
	s0 =	simm.s32 @p1 $0x1  }
0x15: {  	[smem:$0x3FA1] =	sst s0;
	s0 =	simm.s32 @!p2 $0x0  }
0x16: {  	s3 =	sld [smem:$0x3FDB];
	s0 =	simm.s32 @p2 $0x1  }
0x17: {  	s4 =	simm.s32 $0x1BF5;
	[smem:$0x3FA3] =	sst s0  }
0x18: {  	s0 =	sld [smem:$0x3F86];
	_ =	swait.ge [sflag:s4], $0x0  }
0x19: {  	s7 =	sld [smem:$0x3F87]  }
0x1a: {  	s8 =	sadd.s32 $0xFFFFE003, lr  }
0x1b: {  	s9 =	sadd.s32 $0xFFFFFEF7, lr;
	s5 =	simm.s32 $0xFFFFFFFF;
	p2 =	slt.u32 s8, $0xFFFFF086  }
0x1c: {  	p1 =	slt.u32 s9, $0xF7A;
	s5 =	simm.s32 @!p2 $0x0  }
0x1d: {  	s5 =	simm.s32 @p1 $0x1;
	p0 =	seq.s32 s7, s2  }
0x1e: {  	s7 =	smul.u32 @!p0 $0xF7A, s2;
	p2 =	seq.s32 @!p0 s5, $0x0  }
0x1f: {  	s9 =	smul.u32 $0xF7A, s1;
	s8 =	simm.s32 @!p0 $0x1BF5;
	p2 =	por !p2, p0  }
0x20: {  	[sflag:s8] =	ssyncset.s32 @!p0 $0xFFFFF086;
	s6 =	sadd.s32 @!p0 s3, s7;
	s7 =	simm.s32 @!p0 $0x108  }
0x21: {  	s3 =	sadd.s32 s3, s9;
	s6 =	sadd.s32 @!p0 $0x88, s6;
	s7 =	simm.s32 @p2 $0x1082  }
0x22: {  	[simem:s7], [sflag:s8] =	dma.local @!p0 [hbm:s6], $0xF7A  }
0x23: {  	s9 =	sor.u32 $0xD0000000, s2;
	s6 =	simm.s32 $0x108;
	_ =	swait.ge @!p0 [sflag:s8], $0x0  }
0x24: {  	s3 =	sadd.s32 $0x88, s3;
	s6 =	simm.s32 @!p1 $0x1082;
	[sflag:s4] =	ssyncset.s32 $0xFFFFF086  }
0x25: {  	[simem:s6], [sflag:s4] =	dma.local [hbm:s3], $0xF7A  }
0x26: {  	[smem:$0x3F87] =	sst s1;
	(tag) =	ssettag s2;
	_ =	strace s9  }
0x27: {  	s1 =	sld [smem:$0x3F97]  }
0x28: {  	s2 =	sld [smem:$0x3F98]  }
0x29: {  	s4 =	sld [smem:$0x3F9A]  }
0x2a: {  	p0 =	seq.s32 s5, $0x0;
	s5 =	sld [smem:$0x3F9B]  }
0x2b: {  	s6 =	sld [smem:$0x3F9C]  }
0x2c: {  	s7 =	sld [smem:$0x3F9D]  }
0x2d: {  	s3 =	simm.s32 $0x108;
	s8 =	sld [smem:$0x3F9E]  }
0x2e: {  	s3 =	simm.s32 @!p0 $0x1082;
	s9 =	sld [smem:$0x3F9F]  }
0x2f: {  	lr =	sadd.s32 s0, s3;
	s0 =	sld [smem:$0x3F96]  }
0x30: {  	s3 =	sld [smem:$0x3F99]  }
0x31: {  	[smem:$0x3FA2] =	sst s10  }
0x32: {  	s10 =	sld [smem:$0x3FA0];
	_ =	sdelay $0x3  }
0x33: {  	p0 =	seq.s32 s10, $0x1;
	s10 =	sld [smem:$0x3FA2];
	_ =	sdelay $0x3  }
0x34: {  	[smem:$0x3FA2] =	sst s10  }
0x35: {  	s10 =	sld [smem:$0x3FA1];
	_ =	sdelay $0x3  }
0x36: {  	p1 =	seq.s32 s10, $0x1;
	s10 =	sld [smem:$0x3FA2];
	_ =	sdelay $0x3  }
0x37: {  	[smem:$0x3FA2] =	sst s10  }
0x38: {  	s10 =	sld [smem:$0x3FA3]  }
0x39: {  	_ = 	snop;
	(pc) =	sbr.ind lr, $3  }
0x3a: {  	_ = 	snop  }
0x3b: {  	_ = 	snop  }
0x3c: {  	p2 =	seq.s32 s10, $0x1;
	s10 =	sld [smem:$0x3FA2]  }
0x3d: {  	_ =	shalt  }
0x3e: {  	_ =	shalt  }
0x3f: {  	_ =	shalt  }
0x40: {  	_ =	shalt  }
0x41: {  	_ =	shalt  }
0x42: {  	_ =	shalt  }
0x43: {  	_ =	shalt  }
0x44: {  	_ =	shalt  }
0x45: {  	_ =	shalt  }
0x46: {  	_ =	shalt  }
0x47: {  	_ =	shalt  }
0x48: {  	_ =	shalt  }
0x49: {  	_ =	shalt  }
0x4a: {  	_ =	shalt  }
0x4b: {  	_ =	shalt  }
0x4c: {  	_ =	shalt  }
0x4d: {  	_ =	shalt  }
0x4e: {  	_ =	shalt  }
0x4f: {  	_ =	shalt  }
0x50: {  	_ =	shalt  }
0x51: {  	_ =	shalt  }
0x52: {  	_ =	shalt  }
0x53: {  	_ =	shalt  }
0x54: {  	_ =	shalt  }
0x55: {  	_ =	shalt  }
0x56: {  	_ =	shalt  }
0x57: {  	_ =	shalt  }
0x58: {  	_ =	shalt  }
0x59: {  	_ =	shalt  }
0x5a: {  	_ =	shalt  }
0x5b: {  	_ =	shalt  }
0x5c: {  	_ =	shalt  }
0x5d: {  	_ =	shalt  }
0x5e: {  	_ =	shalt  }
0x5f: {  	_ =	shalt  }
0x60: {  	_ =	shalt  }
0x61: {  	_ =	shalt  }
0x62: {  	_ =	shalt  }
0x63: {  	_ =	shalt  }
0x64: {  	_ =	shalt  }
0x65: {  	_ =	shalt  }
0x66: {  	_ =	shalt  }
0x67: {  	_ =	shalt  }
0x68: {  	_ =	shalt  }
0x69: {  	_ =	shalt  }
0x6a: {  	_ =	shalt  }
0x6b: {  	_ =	shalt  }
0x6c: {  	_ =	shalt  }
0x6d: {  	_ =	shalt  }
0x6e: {  	_ =	shalt  }
0x6f: {  	_ =	shalt  }
0x70: {  	_ =	shalt  }
0x71: {  	_ =	shalt  }
0x72: {  	_ =	shalt  }
0x73: {  	_ =	shalt  }
0x74: {  	_ =	shalt  }
0x75: {  	_ =	shalt  }
0x76: {  	_ =	shalt  }
0x77: {  	_ =	shalt  }
0x78: {  	_ =	shalt  }
0x79: {  	_ =	shalt  }
0x7a: {  	_ =	shalt  }
0x7b: {  	_ =	shalt  }
0x7c: {  	_ =	shalt  }
0x7d: {  	_ =	shalt  }
0x7e: {  	_ =	shalt  }
0x7f: {  	_ =	shalt  }
0x80: {  	_ =	shalt  }
0x81: {  	_ =	shalt  }
0x82: {  	_ =	shalt  }
0x83: {  	_ =	shalt  }
0x84: {  	_ =	shalt  }
0x85: {  	_ =	shalt  }
0x86: {  	_ =	shalt  }
0x87: {  	_ =	shalt  }
.Lfunc_end0:
.L_simem_size_0:
called_computation_lowered:
.L_overlay_start_0:
0x88: {  	s2 =	sld [smem:$0x3FD9]  }
0x89: {  	s3 =	sld [smem:$0x3FFE];
	_ =	sdelay $0x1  }
0x8a: {  	s1 =	srdreg.scid  }
0x8b: {  	s0 =	sand.u32 $0x1, s1  }
0x8c: {  	s14 =	sshll.u32 s0, $0xA;
	s2 =	sadd.s32 s3, s2  }
0x8d: {  	s2 =	sadd.s32 s2, s14  }
0x8e: {  	[smem:$0x3FAE] =	sst s2  }
0x8f: {  	_ = 	snop  }
0x90: {  	s2 =	sld [smem:$0x3FD0];
	_ =	sdelay $0x2  }
0x91: {  	s15 =	simm.s32 $0xA;
	s4 =	simm.s32 $0x10  }
0x92: {  	[smem:s4], [sflag:s15] =	dma.local [hbm:s2], $0x1  }
0x93: {  	_ =	swait.eq [sflag:s15], $0x1  }
0x94: {  	[sflag:s15] =	ssyncset.done $0x0  }
0x95: {  	[sflag:s15] =	ssyncadd.s32 $0xFFFFFFFF  }
0x96: {  	s16 =	sld [smem:$0x10];
	(tm) =	ssettm $0x1  }
0x97: {  	s17 =	sld [smem:$0x3FFB];
	_ =	sdelay $0x3  }
0x98: {  	_ =	strace s17  }
0x99: {  	s3 =	sld [smem:$0x3FFC];
	_ =	sdelay $0x3  }
0x9a: {  	_ =	strace s3  }
0x9b: {  	s3 =	sld [smem:$0x3FFD];
	_ =	sdelay $0x3  }
0x9c: {  	_ =	strace s3  }
0x9d: {  	_ =	strace $0x8FFFFFFF  }
0x9e: {  	s18 =	sld [smem:$0x3FDB];
	_ =	sdelay $0x1  }
0x9f: {  	s19 =	simm.s32 $_scs_section_size  }
0xa0: {  	s5 =	simm.s32 $_size__tile_overlayer_lowered;
	s6 =	simm.s32 $_tile_overlayer_lowered  }
0xa1: {  	s22 =	simm.s32 $0x1BFF;
	s21 =	sshll.u32 s6, $0x1;
	s3 =	sadd.s32 s19, s18  }
0xa2: {  	s7 =	simm.s32 $0x0;
	s20 =	sshll.u32 s5, $0x1;
	s5 =	sadd.s32 s21, s3  }
0xa3: {  	[timem:s7], [sflag:s22] =	dma.local [hbm:s5], s20  }
0xa4: {  	_ =	swait.ge [sflag:s22], s20  }
0xa5: {  	s4 =	ssub.s32 $0x0, s20;
	[sflag:s22] =	ssyncset.done $0x0  }
0xa6: {  	[sflag:s22] =	ssyncadd.s32 s4;
	_ =	sdelay $0x1  }
0xa7: {  	s23 =	simm.s32 $0x1B8B  }
0xa8: {  	_ =	swait.ge [sflag:s23], $0x1  }
0xa9: {  	[sflag:s23] =	ssyncset.done $0x0  }
0xaa: {  	s25 =	simm.s32 $0x1B8E;
	s24 =	sld [smem:$0x3FFE];
	[sflag:s23] =	ssyncadd.s32 $0xFFFFFFFF  }
0xab: {  	s26 =	simm.s32 $execute0_lowered;
	[smem:$0x3FD2] =	sst s25  }
0xac: {  	s5 =	sshll.u32 s26, $0x1;
	_ =	strace $0x80000046;
	[dreg:$0x1] =	wrdreg $0xFFFFFFFF  }
0xad: {  	s28 =	simm.s32 $_size_execute0_lowered;
	s3 =	sadd.s32 s3, s5;
	[dreg:$0x0] =	wrdreg $0x0  }
0xae: {  	s5 =	sshll.u32 s28, $0x1;
	[dreg:$0x2] =	wrdreg s3  }
0xaf: {  	[dreg:$0x3] =	wrdreg s5  }
0xb0: {  	[dreg:$0x4] =	wrdreg $0xC0  }
0xb1: {  	_ =	task [dreg:s7], $0x5FFFF  }
0xb2: {  	[dreg:$0x1] =	wrdreg $0xFFFFFFFF  }
0xb3: {  	[dreg:$0x0] =	wrdreg $0x60  }
0xb4: {  	[dreg:$0x2] =	wrdreg s24  }
0xb5: {  	[dreg:$0x3] =	wrdreg s16  }
0xb6: {  	[dreg:$0x4] =	wrdreg $0x9  }
0xb7: {  	_ =	task.clear_ibuf [dreg:s7], $0x5FFFF;
	_ =	strace $0x90000046  }
0xb8: {  	s29 =	simm.s32 $0x9;
	_ =	strace $0x80000048  }
0xb9: {  	_ =	swait.ge [sflag:s29], $0x1  }
0xba: {  	[sflag:s29] =	ssyncadd.s32 $0xFFFFFFFF  }
0xbb: {  	_ =	strace $0x90000048  }
0xbc: {  	_ =	sfence  }
0xbd: {  	s30 =	sld [smem:$0x0];
	_ =	sdelay $0x2  }
0xbe: {  	s31 =	sshll.u32 s1, $0xD;
	s1 =	sshrl.u32 s1, $0x2  }
0xbf: {  	s3 =	sand.u32 $0x4000, s31;
	s1 =	sadd.s32 s1, s30  }
0xc0: {  	s0 =	sor.u32 s3, s0;
	s1 =	sshll.u32 s1, $0x11  }
0xc1: {  	s0 =	sor.u32 s1, s0  }
0xc2: {  	s0 =	sadd.s32 $0x8F2B, s0  }
0xc3: {  	[sflag:s0] =	ssyncadd.remote.s32 $0x1  }
0xc4: {  	_ =	sfence.sel $0xFFFF  }
0xc5: {  	[dreg:$0x0] =	wrdreg $0xFFFFFFFF;
	(pc) =	sbr.abs _section_cstart, $3  }
0xc6: {  	[dreg:$0x1] =	wrdreg $0xFFFFFFFF  }
0xc7: {  	_ =	task.clear_ibuf [dreg:s7], $0x2FFFF;
	_ =	strace $0x9FFFFFFF  }
0xc8: {  	(tm) =	ssettm $0x7FFFFFFF  }
0xc9: {  	_ =	shalt  }
tec
execute0_lowered:
.L_overlay_start_1:
0x0: {  	(tag) =	ssettag $0x1  }
0x1: {  	s1 =	srdreg.scid;
	s0 =	stileid.u32  }
0x2: {  	s6 =	sand.u32 $0x1, s1;
	s30 =	sshll.u32 s0, $0x1  }
0x3: {  	s5 =	rddreg [dreg:$0x0];
	s9 =	sor.u32 s6, s30  }
0x4: {  	s10 =	rddreg [dreg:$0x1];
	s2 =	simm.s32 $0x0;
	s3 =	smul.u32 $0x19, s9  }
0x5: {  	s7 =	simm.s32 $0x100;
	[smem:$0x7FF] =	sst s2  }
0x6: {  	s1 =	rddreg [dreg:$0x2];
	_ =	strace $0x80000047;
	s3 =	sadd.s32 s3, s5  }
0x7: {  	s11 =	ssub.s32 $0x2, s6;
	s4 =	sadd.s32 $0x5000, s3;
	s3 =	simm.s32 $0x2  }
0x8: {  	[tilespmem:s2], [sflag:$0x2] =	stream.linear.gather [hbm4b:s4+s2], $0xC8, $0x38;
	[tilespmem:$0x6500] =	vst v63  }
0x9: {  	s8 =	simm.s32 $0x1;
	s12 =	sshrl.u32 s11, $0x1;
	_ =	swait.ge [sflag:s3], $0xC8  }
0xa: {  	s6 =	simm.s32 $0xC8;
	s11 =	ssub.s32 s11, s12;
	[sflag:s3] =	ssyncset.done $0x0  }
0xb: {  	s5 =	sadd.s32 $0x1000, s5;
	s31 =	smax.u32 s11, $0x1;
	[sflag:s3] =	ssyncadd.s32 $0xFFFFFF38  }
0xc: {  	[tilespmem:s7], [sflag:$0x1] =	stream.indirect.gather [hbm4b:s5+s6], $0x80, s2, s6, $0xb8;
	[tilespmem:$0x6500] =	vst v63  }
0xd: {  	s9 =	smul.u32 $0xC80, s9;
	p0 =	sne.s32 s31, $0x1;
	_ =	swait.ge [sflag:s8], $0x6400  }
.Ltmp0:
0xe: {  	[sflag:s8] =	ssyncset.done $0x0;
	(pc) =	sbr.rel @!p0 .LBB2_2-.Ltmp0, $4  }
0xf: {  	s9 =	sadd.s32 s10, s9;
	[sflag:s8] =	ssyncadd.s32 $0xFFFF9C00  }
0x10: {  	[hbm4b:s9+s2] =	stream.linear.scatter [tilespmem:s7], [sflag:$0x2], $0x6400, $0x38;
	[tilespmem:$0x6500] =	vst v63  }
0x11: {  	_ =	swait.ge [sflag:s3], $0x6400  }
0x12: {  	s10 =	sadd.s32 $0xFFFFFFFF, s31;
	[sflag:s3] =	ssyncset.done $0x0  }
.LBB2_1:
0x13: {  	p0 =	sne.s32 s10, $0x1;
	s10 =	sadd.s32 $0xFFFFFFFF, s10;
	[sflag:s3] =	ssyncadd.s32 $0xFFFF9C00  }
0x14: {  	[tilespmem:s2], [sflag:$0x2] =	stream.linear.gather [hbm4b:s4+s2], $0xC8, $0x38;
	[tilespmem:$0x6500] =	vst v63  }
0x15: {  	_ =	swait.ge [sflag:s3], $0xC8  }
0x16: {  	[sflag:s3] =	ssyncset.done $0x0  }
0x17: {  	[sflag:s3] =	ssyncadd.s32 $0xFFFFFF38  }
0x18: {  	[tilespmem:s7], [sflag:$0x1] =	stream.indirect.gather [hbm4b:s5+s6], $0x80, s2, s6, $0xb8;
	[tilespmem:$0x6500] =	vst v63  }
0x19: {  	_ =	swait.ge [sflag:s8], $0x6400  }
.Ltmp1:
0x1a: {  	[sflag:s8] =	ssyncset.done $0x0;
	(pc) =	sbr.rel @p0 .LBB2_1-.Ltmp1, $4  }
0x1b: {  	[sflag:s8] =	ssyncadd.s32 $0xFFFF9C00  }
0x1c: {  	[hbm4b:s9+s2] =	stream.linear.scatter [tilespmem:s7], [sflag:$0x2], $0x6400, $0x38;
	[tilespmem:$0x6500] =	vst v63  }
0x1d: {  	_ =	swait.ge [sflag:s3], $0x6400  }
0x1e: {  	[sflag:s3] =	ssyncset.done $0x0  }
.LBB2_2:
0x1f: {  	[sflag:s3] =	ssyncadd.s32 $0xFFFF9C00  }
0x20: {  	_ =	sfence.sel $0x180000  }
0x21: {  	[bflag:$0x0] =	sbarrier.arrive $0xFFFF  }
0x22: {  	p0 =	sne.s32 s0, $0x0;
	_ =	strace $0x90000047  }
0x23: {  	s0 =	sadd.s32 @!p0 $0x100000, s1;
	[bflag:$0x2] =	sbarrier.arrive $0xFFFF  }
0x24: {  	[sflag:s0] =	ssyncadd.tile.s32 @!p0 $0x1;
	_ =	shalt  }
.Lfunc_end2:
_tile_overlayer_lowered:
.L_overlay_start_2:
0x25: {  	(tag) =	ssettag $0x2  }
0x26: {  	s0 =	rddreg [dreg:$0x0];
	s2 =	stileid.u32  }
0x27: {  	s1 =	rddreg [dreg:$0x1];
	p0 =	sne.s32 s2, $0x0  }
0x28: {  	s3 =	rddreg [dreg:$0x2];
	[bflag:$0x3] =	sbarrier.arrive $0xFFFF;
	s2 =	simm.s32 @!p0 $0x1C02  }
0x29: {  	[timem:s3], [sflag:s2] =	dma.local @!p0 [hbm:s0], s1  }
0x2a: {  	s0 =	simm.s32 @!p0 $0x2  }
0x2b: {  	_ =	swait.ge @!p0 [sflag:s0], s1  }
0x2c: {  	s1 =	ssub.s32 @!p0 $0x0, s1;
	[sflag:s0] =	ssyncset.done @!p0 $0x0  }
0x2d: {  	[sflag:s0] =	ssyncadd.s32 @!p0 s1  }
0x2e: {  	[bflag:$0x3] =	sbarrier.arrive $0xFFFF  }
0x2f: {  	_ =	shalt  }

</sc_bundles>
